<compile_context>
chip_gen: v7x
topology: tpu7x:2x2x1
jax: 0.10.2.dev20260603
libtpu: 0.0.44.dev20260713+nightly
codegen_flags: <defaults>
</compile_context>

<pallas_src>
import functools

import jax
import jax.numpy as jnp
from jax import lax
from jax.experimental import pallas as pl
from jax.experimental.pallas import tpu as pltpu
from jax.experimental.pallas import tpu_sc as plsc

_VOCAB = 100000
_DIM = 300
_CLASSES = 6
_BATCH = 4096
_SEQ = 50

_CP = 16
_NC = 2
_NS = 16
_NW = _NC * _NS
_BPW = _BATCH // _NW
_IPW = _BPW * _SEQ
_ROWS_BLK = 8192


def _proj_body(embT_ref, w_ref, out_ref):
    out_ref[...] = jax.lax.dot_general(
        embT_ref[...],
        w_ref[...],
        (((0,), (0,)), ((), ())),
        preferred_element_type=jnp.float32,
    )


def _project_table(embT, w_pad):
    grid = (_VOCAB + _ROWS_BLK - 1) // _ROWS_BLK
    return pl.pallas_call(
        _proj_body,
        grid=(grid,),
        in_specs=[
            pl.BlockSpec((_DIM, _ROWS_BLK), lambda i: (0, i)),
            pl.BlockSpec((_DIM, _CP), lambda i: (0, 0)),
        ],
        out_specs=pl.BlockSpec((_ROWS_BLK, _CP), lambda i: (i, 0)),
        out_shape=jax.ShapeDtypeStruct((_VOCAB, _CP), jnp.float32),
    )(embT, w_pad)


_sc_mesh = plsc.VectorSubcoreMesh(core_axis_name="c", subcore_axis_name="s")


@functools.partial(
    pl.kernel,
    mesh=_sc_mesh,
    compiler_params=pltpu.CompilerParams(use_tc_tiling_on_sc=False),
    out_type=jax.ShapeDtypeStruct((_BATCH, _CP), jnp.float32),
    scratch_types=[
        pltpu.VMEM((_SEQ, _BPW), jnp.int32),
        pltpu.VMEM((_IPW, _CP), jnp.float32),
        pltpu.VMEM((_BPW, _CP), jnp.float32),
        pltpu.VMEM((_CP,), jnp.float32),
        pltpu.SemaphoreType.DMA,
    ],
)
def _sc_pool(xw_hbm, proj_hbm, bias_hbm, out_hbm, idx_v, rows_v, out_v, b_v, sem):
    wid = lax.axis_index("s") * _NC + lax.axis_index("c")
    pltpu.sync_copy(xw_hbm.at[wid], idx_v)
    pltpu.sync_copy(bias_hbm, b_v)

    def fire(j, carry):
        pltpu.async_copy(
            proj_hbm.at[idx_v.at[j]],
            rows_v.at[pl.ds(j * _BPW, _BPW)],
            sem,
        )
        return carry

    lax.fori_loop(0, _SEQ, fire, 0)
    pltpu.make_async_copy(proj_hbm.at[pl.ds(0, _IPW)], rows_v, sem).wait()

    zero = jnp.zeros((_CP,), jnp.float32)

    def reduce_row(i, carry):
        base = i * _SEQ
        a0 = b_v[...]
        a1 = zero
        a2 = zero
        a3 = zero
        for l in range(0, _SEQ - 2, 4):
            a0 = a0 + rows_v[base + l]
            a1 = a1 + rows_v[base + l + 1]
            a2 = a2 + rows_v[base + l + 2]
            a3 = a3 + rows_v[base + l + 3]
        a0 = a0 + rows_v[base + _SEQ - 2]
        a1 = a1 + rows_v[base + _SEQ - 1]
        out_v[i] = (a0 + a1) + (a2 + a3)
        return carry

    lax.fori_loop(0, _BPW, reduce_row, 0)
    pltpu.sync_copy(out_v, out_hbm.at[pl.ds(wid * _BPW, _BPW)])


def kernel(x, emb_table, W, b):
    w_pad = jnp.pad(W, ((0, 0), (0, _CP - _CLASSES))) * (1.0 / _SEQ)
    b_pad = jnp.pad(b, (0, _CP - _CLASSES)).astype(jnp.float32)
    proj = _project_table(emb_table.T, w_pad)
    xw = x.astype(jnp.int32).reshape(_NW, _SEQ, _BPW)
    out = _sc_pool(xw, proj, b_pad)
    return out[:, :_CLASSES]

# --- scband reference (transcript-rebuilt; emitter-appended) ---
"""Pipeline reference for scband-test-model-bag-of-words-random-embeddings-85968065396885 (READ-ONLY COPY).

The authoritative reference and input builder live on the scoring server;
editing this copy changes nothing except your own understanding.
"""

import jax, jax.numpy as jnp
import numpy as np

VOCAB = 100000
EMBED_DIM = 300
NUM_CLASSES = 6
BATCH = 4096
SEQ = 50


def setup_inputs(seed: int = 0) -> dict:
    key = jax.random.key(seed)
    k1, k2, k3, k4 = jax.random.split(key, 4)
    x = jax.random.randint(k1, (BATCH, SEQ), 0, VOCAB)
    # learned parameters
    emb_table = jax.random.normal(k2, (VOCAB, EMBED_DIM), dtype=jnp.float32)
    W = jax.random.normal(k3, (EMBED_DIM, NUM_CLASSES), dtype=jnp.float32) * (1.0 / np.sqrt(EMBED_DIM))
    b = jnp.zeros((NUM_CLASSES,), dtype=jnp.float32)
    return {"x": x, "emb_table": emb_table, "W": W, "b": b}


def reference(x, emb_table, W, b):
    # WordEmbeddings: per-token embedding lookup (gather)
    emb = jnp.take(emb_table, x, axis=0)            # [B, L, D]
    # BagOfWords: average pooling over token axis
    pooled = jnp.mean(emb, axis=1)                   # [B, D]
    # ClassifierNN(300): linear classifier head
    logits = pooled @ W + b                          # [B, C]
    return logits

if __name__ == "__main__":
    import jax
    _d = setup_inputs()
    print(jax.jit(kernel)(*tuple(_d.values())))

</pallas_src>

<mosaic_0001>
#map = affine_map<(d0, d1) -> (0, 0, 0)>
#map1 = affine_map<(d0, d1) -> (0, 0)>
#map2 = affine_map<(d0, d1) -> (0)>
module attributes {stable_mosaic.version = 14 : i64} {
  func.func @_sc_pool(%arg0: i32, %arg1: i32, %arg2: memref<32x50x128xi32, #tpu.memory_space<hbm>>, %arg3: memref<100000x16xf32, #tpu.memory_space<hbm>>, %arg4: memref<16xf32, #tpu.memory_space<hbm>>, %arg5: memref<4096x16xf32, #tpu.memory_space<hbm>>, %arg6: memref<50x128xi32, #tpu.memory_space<vmem>>, %arg7: memref<6400x16xf32, #tpu.memory_space<vmem>>, %arg8: memref<128x16xf32, #tpu.memory_space<vmem>>, %arg9: memref<16xf32, #tpu.memory_space<vmem>>, %arg10: memref<!tpu.dma_semaphore, #tpu.memory_space<semaphore_mem>>) attributes {dimension_semantics = [#tpu.dimension_semantics<core_parallel>, #tpu.dimension_semantics<subcore_parallel>], iteration_bounds = array<i64: 2, 16>, scalar_prefetch = 0 : i64, scratch_operands = 5 : i64, tpu.core_type = #tpu.core_type<sc_vector_subcore>, window_params = [{transform_indices = #map}, {transform_indices = #map1}, {transform_indices = #map2}, {transform_indices = #map1}]} {
    %mul3A = arith.constant 2 : i32
    %mul3A_0 = arith.muli %arg1, %mul3A : i32
    %add3A = arith.addi %mul3A_0, %arg0 : i32
    "tpu.region"() ({
      %run_scoped3A = tpu.sem_alloc : memref<!tpu.dma_semaphore, #tpu.memory_space<semaphore_mem>>
      %dma_start3A = arith.constant 0 : i32
      %dma_start3A_20 = arith.constant 0 : i32
      %dma_start3A_21 = tpu.memref_slice %arg2[%add3A, %dma_start3A, %dma_start3A_20] : memref<32x50x128xi32, #tpu.memory_space<hbm>> -> memref<1x50x128xi32, #tpu.memory_space<hbm>>
      %dma_start3A_22 = tpu.memref_squeeze %dma_start3A_21 : memref<1x50x128xi32, #tpu.memory_space<hbm>> -> memref<50x128xi32, #tpu.memory_space<hbm>>
      %dma_start3A_23 = arith.constant 0 : i32
      %dma_start3A_24 = arith.constant 0 : i32
      %dma_start3A_25 = tpu.memref_slice %arg2[%add3A, %dma_start3A_23, %dma_start3A_24] : memref<32x50x128xi32, #tpu.memory_space<hbm>> -> memref<1x50x128xi32, #tpu.memory_space<hbm>>
      %dma_start3A_26 = tpu.memref_squeeze %dma_start3A_25 : memref<1x50x128xi32, #tpu.memory_space<hbm>> -> memref<50x128xi32, #tpu.memory_space<hbm>>
      tpu.enqueue_dma source(%dma_start3A_26 : memref<50x128xi32, #tpu.memory_space<hbm>>) target(%arg6 : memref<50x128xi32, #tpu.memory_space<vmem>>) target_semaphore(%run_scoped3A : memref<!tpu.dma_semaphore, #tpu.memory_space<semaphore_mem>>)
      %dma_wait3A_27 = arith.constant 0 : i32
      %dma_wait3A_28 = arith.constant 0 : i32
      %dma_wait3A_29 = tpu.memref_slice %arg2[%add3A, %dma_wait3A_27, %dma_wait3A_28] : memref<32x50x128xi32, #tpu.memory_space<hbm>> -> memref<1x50x128xi32, #tpu.memory_space<hbm>>
      %dma_wait3A_30 = tpu.memref_squeeze %dma_wait3A_29 : memref<1x50x128xi32, #tpu.memory_space<hbm>> -> memref<50x128xi32, #tpu.memory_space<hbm>>
      %dma_wait3A_31 = arith.constant 0 : i32
      %dma_wait3A_32 = arith.constant 0 : i32
      %dma_wait3A_33 = tpu.memref_slice %arg2[%add3A, %dma_wait3A_31, %dma_wait3A_32] : memref<32x50x128xi32, #tpu.memory_space<hbm>> -> memref<1x50x128xi32, #tpu.memory_space<hbm>>
      %dma_wait3A_34 = tpu.memref_squeeze %dma_wait3A_33 : memref<1x50x128xi32, #tpu.memory_space<hbm>> -> memref<50x128xi32, #tpu.memory_space<hbm>>
      tpu.wait_dma2 semaphore(%run_scoped3A : memref<!tpu.dma_semaphore, #tpu.memory_space<semaphore_mem>>) src(%dma_wait3A_34 : memref<50x128xi32, #tpu.memory_space<hbm>>) dst(%arg6 : memref<50x128xi32, #tpu.memory_space<vmem>>)
      tpu.yield
    }) : () -> ()
    "tpu.region"() ({
      %run_scoped3A = tpu.sem_alloc : memref<!tpu.dma_semaphore, #tpu.memory_space<semaphore_mem>>
      tpu.enqueue_dma source(%arg4 : memref<16xf32, #tpu.memory_space<hbm>>) target(%arg9 : memref<16xf32, #tpu.memory_space<vmem>>) target_semaphore(%run_scoped3A : memref<!tpu.dma_semaphore, #tpu.memory_space<semaphore_mem>>)
      tpu.wait_dma2 semaphore(%run_scoped3A : memref<!tpu.dma_semaphore, #tpu.memory_space<semaphore_mem>>) src(%arg4 : memref<16xf32, #tpu.memory_space<hbm>>) dst(%arg9 : memref<16xf32, #tpu.memory_space<vmem>>)
      tpu.yield
    }) : () -> ()
    %scan3A = arith.constant 0 : i32
    %scan3A_1 = arith.constant 0 : i32
    %scan3A_2 = arith.constant 50 : i32
    %scan3A_3 = arith.addi %scan3A_1, %scan3A_2 : i32
    %scan3A_4 = arith.constant 1 : i32
    scf.for %scan3A_20 = %scan3A_1 to %scan3A_3 step %scan3A_4  : i32 {
      %mul3A_21 = arith.constant 128 : i32
      %mul3A_22 = arith.muli %scan3A_20, %mul3A_21 : i32
      %dma_start3A = arith.constant 0 : i32
      %dma_start3A_23 = tpu.memref_slice %arg7[%mul3A_22, %dma_start3A] : memref<6400x16xf32, #tpu.memory_space<vmem>> -> memref<128x16xf32, #tpu.memory_space<vmem>>
      %dma_start3A_24 = arith.constant 0 : i32
      %dma_start3A_25 = tpu.memref_slice %arg6[%scan3A_20, %dma_start3A_24] : memref<50x128xi32, #tpu.memory_space<vmem>> -> memref<1x128xi32, #tpu.memory_space<vmem>>
      %dma_start3A_26 = tpu.memref_squeeze %dma_start3A_25 : memref<1x128xi32, #tpu.memory_space<vmem>> -> memref<128xi32, #tpu.memory_space<vmem>>
      %dma_start3A_27 = arith.constant 0 : i32
      %dma_start3A_28 = arith.constant 0 : i32
      %dma_start3A_29 = tpu.memref_slice %arg3[%dma_start3A_27, %dma_start3A_28] : memref<100000x16xf32, #tpu.memory_space<hbm>> -> memref<100000x16xf32, #tpu.memory_space<hbm>>
      tpu.enqueue_indirect_dma source(%dma_start3A_29 : memref<100000x16xf32, #tpu.memory_space<hbm>>) target(%dma_start3A_23 : memref<128x16xf32, #tpu.memory_space<vmem>>) offsets(%dma_start3A_26 : memref<128xi32, #tpu.memory_space<vmem>>) semaphore(%arg10 : memref<!tpu.dma_semaphore, #tpu.memory_space<semaphore_mem>>)
    }
    %scan3A_5 = arith.constant 50 : i32
    %dma_wait3A = arith.constant 0 : i32
    %dma_wait3A_6 = arith.constant 0 : i32
    %dma_wait3A_7 = tpu.memref_slice %arg3[%dma_wait3A, %dma_wait3A_6] : memref<100000x16xf32, #tpu.memory_space<hbm>> -> memref<6400x16xf32, #tpu.memory_space<hbm>>
    %dma_wait3A_8 = arith.constant 0 : i32
    %dma_wait3A_9 = arith.constant 0 : i32
    %dma_wait3A_10 = tpu.memref_slice %arg3[%dma_wait3A_8, %dma_wait3A_9] : memref<100000x16xf32, #tpu.memory_space<hbm>> -> memref<6400x16xf32, #tpu.memory_space<hbm>>
    tpu.wait_dma2 semaphore(%arg10 : memref<!tpu.dma_semaphore, #tpu.memory_space<semaphore_mem>>) src(%dma_wait3A_10 : memref<6400x16xf32, #tpu.memory_space<hbm>>) dst(%arg7 : memref<6400x16xf32, #tpu.memory_space<vmem>>)
    %broadcast_in_dim3A = arith.constant 0.000000e+00 : f32
    %broadcast_in_dim3A_11 = vector.broadcast %broadcast_in_dim3A : f32 to vector<16xf32>
    %scan3A_12 = arith.constant 0 : i32
    %scan3A_13 = arith.constant 0 : i32
    %scan3A_14 = arith.constant 128 : i32
    %scan3A_15 = arith.addi %scan3A_13, %scan3A_14 : i32
    %scan3A_16 = arith.constant 1 : i32
    scf.for %scan3A_20 = %scan3A_13 to %scan3A_15 step %scan3A_16  : i32 {
      %mul3A_21 = arith.constant 50 : i32
      %mul3A_22 = arith.muli %scan3A_20, %mul3A_21 : i32
      %get3A = arith.constant 0 : index
      %get3A_23 = tpu.vector_load %arg9[%get3A] {strides = array<i32>} : memref<16xf32, #tpu.memory_space<vmem>>, vector<16xf32>,
      %get3A_24 = vector.shape_cast %get3A_23 : vector<16xf32> to vector<16xf32>
      %add3A_25 = arith.constant 0 : i32
      %add3A_26 = arith.addi %mul3A_22, %add3A_25 : i32
      %get3A_27 = arith.index_cast %add3A_26 : i32 to index
      %get3A_28 = arith.constant 0 : index
      %get3A_29 = tpu.vector_load %arg7[%get3A_27, %get3A_28] {strides = array<i32>} : memref<6400x16xf32, #tpu.memory_space<vmem>>, vector<1x16xf32>,
      %get3A_30 = vector.shape_cast %get3A_29 : vector<1x16xf32> to vector<16xf32>
      %add3A_31 = arith.addf %get3A_24, %get3A_30 : vector<16xf32>
      %add3A_32 = arith.constant 0 : i32
      %add3A_33 = arith.addi %mul3A_22, %add3A_32 : i32
      %add3A_34 = arith.constant 1 : i32
      %add3A_35 = arith.addi %add3A_33, %add3A_34 : i32
      %get3A_36 = arith.index_cast %add3A_35 : i32 to index
      %get3A_37 = arith.constant 0 : index
      %get3A_38 = tpu.vector_load %arg7[%get3A_36, %get3A_37] {strides = array<i32>} : memref<6400x16xf32, #tpu.memory_space<vmem>>, vector<1x16xf32>,
      %get3A_39 = vector.shape_cast %get3A_38 : vector<1x16xf32> to vector<16xf32>
      %add3A_40 = arith.addf %broadcast_in_dim3A_11, %get3A_39 : vector<16xf32>
      %add3A_41 = arith.constant 0 : i32
      %add3A_42 = arith.addi %mul3A_22, %add3A_41 : i32
      %add3A_43 = arith.constant 2 : i32
      %add3A_44 = arith.addi %add3A_42, %add3A_43 : i32
      %get3A_45 = arith.index_cast %add3A_44 : i32 to index
      %get3A_46 = arith.constant 0 : index
      %get3A_47 = tpu.vector_load %arg7[%get3A_45, %get3A_46] {strides = array<i32>} : memref<6400x16xf32, #tpu.memory_space<vmem>>, vector<1x16xf32>,
      %get3A_48 = vector.shape_cast %get3A_47 : vector<1x16xf32> to vector<16xf32>
      %add3A_49 = arith.addf %broadcast_in_dim3A_11, %get3A_48 : vector<16xf32>
      %add3A_50 = arith.constant 0 : i32
      %add3A_51 = arith.addi %mul3A_22, %add3A_50 : i32
      %add3A_52 = arith.constant 3 : i32
      %add3A_53 = arith.addi %add3A_51, %add3A_52 : i32
      %get3A_54 = arith.index_cast %add3A_53 : i32 to index
      %get3A_55 = arith.constant 0 : index
      %get3A_56 = tpu.vector_load %arg7[%get3A_54, %get3A_55] {strides = array<i32>} : memref<6400x16xf32, #tpu.memory_space<vmem>>, vector<1x16xf32>,
      %get3A_57 = vector.shape_cast %get3A_56 : vector<1x16xf32> to vector<16xf32>
      %add3A_58 = arith.addf %broadcast_in_dim3A_11, %get3A_57 : vector<16xf32>
      %add3A_59 = arith.constant 4 : i32
      %add3A_60 = arith.addi %mul3A_22, %add3A_59 : i32
      %get3A_61 = arith.index_cast %add3A_60 : i32 to index
      %get3A_62 = arith.constant 0 : index
      %get3A_63 = tpu.vector_load %arg7[%get3A_61, %get3A_62] {strides = array<i32>} : memref<6400x16xf32, #tpu.memory_space<vmem>>, vector<1x16xf32>,
      %get3A_64 = vector.shape_cast %get3A_63 : vector<1x16xf32> to vector<16xf32>
      %add3A_65 = arith.addf %add3A_31, %get3A_64 : vector<16xf32>
      %add3A_66 = arith.constant 4 : i32
      %add3A_67 = arith.addi %mul3A_22, %add3A_66 : i32
      %add3A_68 = arith.constant 1 : i32
      %add3A_69 = arith.addi %add3A_67, %add3A_68 : i32
      %get3A_70 = arith.index_cast %add3A_69 : i32 to index
      %get3A_71 = arith.constant 0 : index
      %get3A_72 = tpu.vector_load %arg7[%get3A_70, %get3A_71] {strides = array<i32>} : memref<6400x16xf32, #tpu.memory_space<vmem>>, vector<1x16xf32>,
      %get3A_73 = vector.shape_cast %get3A_72 : vector<1x16xf32> to vector<16xf32>
      %add3A_74 = arith.addf %add3A_40, %get3A_73 : vector<16xf32>
      %add3A_75 = arith.constant 4 : i32
      %add3A_76 = arith.addi %mul3A_22, %add3A_75 : i32
      %add3A_77 = arith.constant 2 : i32
      %add3A_78 = arith.addi %add3A_76, %add3A_77 : i32
      %get3A_79 = arith.index_cast %add3A_78 : i32 to index
      %get3A_80 = arith.constant 0 : index
      %get3A_81 = tpu.vector_load %arg7[%get3A_79, %get3A_80] {strides = array<i32>} : memref<6400x16xf32, #tpu.memory_space<vmem>>, vector<1x16xf32>,
      %get3A_82 = vector.shape_cast %get3A_81 : vector<1x16xf32> to vector<16xf32>
      %add3A_83 = arith.addf %add3A_49, %get3A_82 : vector<16xf32>
      %add3A_84 = arith.constant 4 : i32
      %add3A_85 = arith.addi %mul3A_22, %add3A_84 : i32
      %add3A_86 = arith.constant 3 : i32
      %add3A_87 = arith.addi %add3A_85, %add3A_86 : i32
      %get3A_88 = arith.index_cast %add3A_87 : i32 to index
      %get3A_89 = arith.constant 0 : index
      %get3A_90 = tpu.vector_load %arg7[%get3A_88, %get3A_89] {strides = array<i32>} : memref<6400x16xf32, #tpu.memory_space<vmem>>, vector<1x16xf32>,
      %get3A_91 = vector.shape_cast %get3A_90 : vector<1x16xf32> to vector<16xf32>
      %add3A_92 = arith.addf %add3A_58, %get3A_91 : vector<16xf32>
      %add3A_93 = arith.constant 8 : i32
      %add3A_94 = arith.addi %mul3A_22, %add3A_93 : i32
      %get3A_95 = arith.index_cast %add3A_94 : i32 to index
      %get3A_96 = arith.constant 0 : index
      %get3A_97 = tpu.vector_load %arg7[%get3A_95, %get3A_96] {strides = array<i32>} : memref<6400x16xf32, #tpu.memory_space<vmem>>, vector<1x16xf32>,
      %get3A_98 = vector.shape_cast %get3A_97 : vector<1x16xf32> to vector<16xf32>
      %add3A_99 = arith.addf %add3A_65, %get3A_98 : vector<16xf32>
      %add3A_100 = arith.constant 8 : i32
      %add3A_101 = arith.addi %mul3A_22, %add3A_100 : i32
      %add3A_102 = arith.constant 1 : i32
      %add3A_103 = arith.addi %add3A_101, %add3A_102 : i32
      %get3A_104 = arith.index_cast %add3A_103 : i32 to index
      %get3A_105 = arith.constant 0 : index
      %get3A_106 = tpu.vector_load %arg7[%get3A_104, %get3A_105] {strides = array<i32>} : memref<6400x16xf32, #tpu.memory_space<vmem>>, vector<1x16xf32>,
      %get3A_107 = vector.shape_cast %get3A_106 : vector<1x16xf32> to vector<16xf32>
      %add3A_108 = arith.addf %add3A_74, %get3A_107 : vector<16xf32>
      %add3A_109 = arith.constant 8 : i32
      %add3A_110 = arith.addi %mul3A_22, %add3A_109 : i32
      %add3A_111 = arith.constant 2 : i32
      %add3A_112 = arith.addi %add3A_110, %add3A_111 : i32
      %get3A_113 = arith.index_cast %add3A_112 : i32 to index
      %get3A_114 = arith.constant 0 : index
      %get3A_115 = tpu.vector_load %arg7[%get3A_113, %get3A_114] {strides = array<i32>} : memref<6400x16xf32, #tpu.memory_space<vmem>>, vector<1x16xf32>,
      %get3A_116 = vector.shape_cast %get3A_115 : vector<1x16xf32> to vector<16xf32>
      %add3A_117 = arith.addf %add3A_83, %get3A_116 : vector<16xf32>
      %add3A_118 = arith.constant 8 : i32
      %add3A_119 = arith.addi %mul3A_22, %add3A_118 : i32
      %add3A_120 = arith.constant 3 : i32
      %add3A_121 = arith.addi %add3A_119, %add3A_120 : i32
      %get3A_122 = arith.index_cast %add3A_121 : i32 to index
      %get3A_123 = arith.constant 0 : index
      %get3A_124 = tpu.vector_load %arg7[%get3A_122, %get3A_123] {strides = array<i32>} : memref<6400x16xf32, #tpu.memory_space<vmem>>, vector<1x16xf32>,
      %get3A_125 = vector.shape_cast %get3A_124 : vector<1x16xf32> to vector<16xf32>
      %add3A_126 = arith.addf %add3A_92, %get3A_125 : vector<16xf32>
      %add3A_127 = arith.constant 12 : i32
      %add3A_128 = arith.addi %mul3A_22, %add3A_127 : i32
      %get3A_129 = arith.index_cast %add3A_128 : i32 to index
      %get3A_130 = arith.constant 0 : index
      %get3A_131 = tpu.vector_load %arg7[%get3A_129, %get3A_130] {strides = array<i32>} : memref<6400x16xf32, #tpu.memory_space<vmem>>, vector<1x16xf32>,
      %get3A_132 = vector.shape_cast %get3A_131 : vector<1x16xf32> to vector<16xf32>
      %add3A_133 = arith.addf %add3A_99, %get3A_132 : vector<16xf32>
      %add3A_134 = arith.constant 12 : i32
      %add3A_135 = arith.addi %mul3A_22, %add3A_134 : i32
      %add3A_136 = arith.constant 1 : i32
      %add3A_137 = arith.addi %add3A_135, %add3A_136 : i32
      %get3A_138 = arith.index_cast %add3A_137 : i32 to index
      %get3A_139 = arith.constant 0 : index
      %get3A_140 = tpu.vector_load %arg7[%get3A_138, %get3A_139] {strides = array<i32>} : memref<6400x16xf32, #tpu.memory_space<vmem>>, vector<1x16xf32>,
      %get3A_141 = vector.shape_cast %get3A_140 : vector<1x16xf32> to vector<16xf32>
      %add3A_142 = arith.addf %add3A_108, %get3A_141 : vector<16xf32>
      %add3A_143 = arith.constant 12 : i32
      %add3A_144 = arith.addi %mul3A_22, %add3A_143 : i32
      %add3A_145 = arith.constant 2 : i32
      %add3A_146 = arith.addi %add3A_144, %add3A_145 : i32
      %get3A_147 = arith.index_cast %add3A_146 : i32 to index
      %get3A_148 = arith.constant 0 : index
      %get3A_149 = tpu.vector_load %arg7[%get3A_147, %get3A_148] {strides = array<i32>} : memref<6400x16xf32, #tpu.memory_space<vmem>>, vector<1x16xf32>,
      %get3A_150 = vector.shape_cast %get3A_149 : vector<1x16xf32> to vector<16xf32>
      %add3A_151 = arith.addf %add3A_117, %get3A_150 : vector<16xf32>
      %add3A_152 = arith.constant 12 : i32
      %add3A_153 = arith.addi %mul3A_22, %add3A_152 : i32
      %add3A_154 = arith.constant 3 : i32
      %add3A_155 = arith.addi %add3A_153, %add3A_154 : i32
      %get3A_156 = arith.index_cast %add3A_155 : i32 to index
      %get3A_157 = arith.constant 0 : index
      %get3A_158 = tpu.vector_load %arg7[%get3A_156, %get3A_157] {strides = array<i32>} : memref<6400x16xf32, #tpu.memory_space<vmem>>, vector<1x16xf32>,
      %get3A_159 = vector.shape_cast %get3A_158 : vector<1x16xf32> to vector<16xf32>
      %add3A_160 = arith.addf %add3A_126, %get3A_159 : vector<16xf32>
      %add3A_161 = arith.constant 16 : i32
      %add3A_162 = arith.addi %mul3A_22, %add3A_161 : i32
      %get3A_163 = arith.index_cast %add3A_162 : i32 to index
      %get3A_164 = arith.constant 0 : index
      %get3A_165 = tpu.vector_load %arg7[%get3A_163, %get3A_164] {strides = array<i32>} : memref<6400x16xf32, #tpu.memory_space<vmem>>, vector<1x16xf32>,
      %get3A_166 = vector.shape_cast %get3A_165 : vector<1x16xf32> to vector<16xf32>
      %add3A_167 = arith.addf %add3A_133, %get3A_166 : vector<16xf32>
      %add3A_168 = arith.constant 16 : i32
      %add3A_169 = arith.addi %mul3A_22, %add3A_168 : i32
      %add3A_170 = arith.constant 1 : i32
      %add3A_171 = arith.addi %add3A_169, %add3A_170 : i32
      %get3A_172 = arith.index_cast %add3A_171 : i32 to index
      %get3A_173 = arith.constant 0 : index
      %get3A_174 = tpu.vector_load %arg7[%get3A_172, %get3A_173] {strides = array<i32>} : memref<6400x16xf32, #tpu.memory_space<vmem>>, vector<1x16xf32>,
      %get3A_175 = vector.shape_cast %get3A_174 : vector<1x16xf32> to vector<16xf32>
      %add3A_176 = arith.addf %add3A_142, %get3A_175 : vector<16xf32>
      %add3A_177 = arith.constant 16 : i32
      %add3A_178 = arith.addi %mul3A_22, %add3A_177 : i32
      %add3A_179 = arith.constant 2 : i32
      %add3A_180 = arith.addi %add3A_178, %add3A_179 : i32
      %get3A_181 = arith.index_cast %add3A_180 : i32 to index
      %get3A_182 = arith.constant 0 : index
      %get3A_183 = tpu.vector_load %arg7[%get3A_181, %get3A_182] {strides = array<i32>} : memref<6400x16xf32, #tpu.memory_space<vmem>>, vector<1x16xf32>,
      %get3A_184 = vector.shape_cast %get3A_183 : vector<1x16xf32> to vector<16xf32>
      %add3A_185 = arith.addf %add3A_151, %get3A_184 : vector<16xf32>
      %add3A_186 = arith.constant 16 : i32
      %add3A_187 = arith.addi %mul3A_22, %add3A_186 : i32
      %add3A_188 = arith.constant 3 : i32
      %add3A_189 = arith.addi %add3A_187, %add3A_188 : i32
      %get3A_190 = arith.index_cast %add3A_189 : i32 to index
      %get3A_191 = arith.constant 0 : index
      %get3A_192 = tpu.vector_load %arg7[%get3A_190, %get3A_191] {strides = array<i32>} : memref<6400x16xf32, #tpu.memory_space<vmem>>, vector<1x16xf32>,
      %get3A_193 = vector.shape_cast %get3A_192 : vector<1x16xf32> to vector<16xf32>
      %add3A_194 = arith.addf %add3A_160, %get3A_193 : vector<16xf32>
      %add3A_195 = arith.constant 20 : i32
      %add3A_196 = arith.addi %mul3A_22, %add3A_195 : i32
      %get3A_197 = arith.index_cast %add3A_196 : i32 to index
      %get3A_198 = arith.constant 0 : index
      %get3A_199 = tpu.vector_load %arg7[%get3A_197, %get3A_198] {strides = array<i32>} : memref<6400x16xf32, #tpu.memory_space<vmem>>, vector<1x16xf32>,
      %get3A_200 = vector.shape_cast %get3A_199 : vector<1x16xf32> to vector<16xf32>
      %add3A_201 = arith.addf %add3A_167, %get3A_200 : vector<16xf32>
      %add3A_202 = arith.constant 20 : i32
      %add3A_203 = arith.addi %mul3A_22, %add3A_202 : i32
      %add3A_204 = arith.constant 1 : i32
      %add3A_205 = arith.addi %add3A_203, %add3A_204 : i32
      %get3A_206 = arith.index_cast %add3A_205 : i32 to index
      %get3A_207 = arith.constant 0 : index
      %get3A_208 = tpu.vector_load %arg7[%get3A_206, %get3A_207] {strides = array<i32>} : memref<6400x16xf32, #tpu.memory_space<vmem>>, vector<1x16xf32>,
      %get3A_209 = vector.shape_cast %get3A_208 : vector<1x16xf32> to vector<16xf32>
      %add3A_210 = arith.addf %add3A_176, %get3A_209 : vector<16xf32>
      %add3A_211 = arith.constant 20 : i32
      %add3A_212 = arith.addi %mul3A_22, %add3A_211 : i32
      %add3A_213 = arith.constant 2 : i32
      %add3A_214 = arith.addi %add3A_212, %add3A_213 : i32
      %get3A_215 = arith.index_cast %add3A_214 : i32 to index
      %get3A_216 = arith.constant 0 : index
      %get3A_217 = tpu.vector_load %arg7[%get3A_215, %get3A_216] {strides = array<i32>} : memref<6400x16xf32, #tpu.memory_space<vmem>>, vector<1x16xf32>,
      %get3A_218 = vector.shape_cast %get3A_217 : vector<1x16xf32> to vector<16xf32>
      %add3A_219 = arith.addf %add3A_185, %get3A_218 : vector<16xf32>
      %add3A_220 = arith.constant 20 : i32
      %add3A_221 = arith.addi %mul3A_22, %add3A_220 : i32
      %add3A_222 = arith.constant 3 : i32
      %add3A_223 = arith.addi %add3A_221, %add3A_222 : i32
      %get3A_224 = arith.index_cast %add3A_223 : i32 to index
      %get3A_225 = arith.constant 0 : index
      %get3A_226 = tpu.vector_load %arg7[%get3A_224, %get3A_225] {strides = array<i32>} : memref<6400x16xf32, #tpu.memory_space<vmem>>, vector<1x16xf32>,
      %get3A_227 = vector.shape_cast %get3A_226 : vector<1x16xf32> to vector<16xf32>
      %add3A_228 = arith.addf %add3A_194, %get3A_227 : vector<16xf32>
      %add3A_229 = arith.constant 24 : i32
      %add3A_230 = arith.addi %mul3A_22, %add3A_229 : i32
      %get3A_231 = arith.index_cast %add3A_230 : i32 to index
      %get3A_232 = arith.constant 0 : index
      %get3A_233 = tpu.vector_load %arg7[%get3A_231, %get3A_232] {strides = array<i32>} : memref<6400x16xf32, #tpu.memory_space<vmem>>, vector<1x16xf32>,
      %get3A_234 = vector.shape_cast %get3A_233 : vector<1x16xf32> to vector<16xf32>
      %add3A_235 = arith.addf %add3A_201, %get3A_234 : vector<16xf32>
      %add3A_236 = arith.constant 24 : i32
      %add3A_237 = arith.addi %mul3A_22, %add3A_236 : i32
      %add3A_238 = arith.constant 1 : i32
      %add3A_239 = arith.addi %add3A_237, %add3A_238 : i32
      %get3A_240 = arith.index_cast %add3A_239 : i32 to index
      %get3A_241 = arith.constant 0 : index
      %get3A_242 = tpu.vector_load %arg7[%get3A_240, %get3A_241] {strides = array<i32>} : memref<6400x16xf32, #tpu.memory_space<vmem>>, vector<1x16xf32>,
      %get3A_243 = vector.shape_cast %get3A_242 : vector<1x16xf32> to vector<16xf32>
      %add3A_244 = arith.addf %add3A_210, %get3A_243 : vector<16xf32>
      %add3A_245 = arith.constant 24 : i32
      %add3A_246 = arith.addi %mul3A_22, %add3A_245 : i32
      %add3A_247 = arith.constant 2 : i32
      %add3A_248 = arith.addi %add3A_246, %add3A_247 : i32
      %get3A_249 = arith.index_cast %add3A_248 : i32 to index
      %get3A_250 = arith.constant 0 : index
      %get3A_251 = tpu.vector_load %arg7[%get3A_249, %get3A_250] {strides = array<i32>} : memref<6400x16xf32, #tpu.memory_space<vmem>>, vector<1x16xf32>,
      %get3A_252 = vector.shape_cast %get3A_251 : vector<1x16xf32> to vector<16xf32>
      %add3A_253 = arith.addf %add3A_219, %get3A_252 : vector<16xf32>
      %add3A_254 = arith.constant 24 : i32
      %add3A_255 = arith.addi %mul3A_22, %add3A_254 : i32
      %add3A_256 = arith.constant 3 : i32
      %add3A_257 = arith.addi %add3A_255, %add3A_256 : i32
      %get3A_258 = arith.index_cast %add3A_257 : i32 to index
      %get3A_259 = arith.constant 0 : index
      %get3A_260 = tpu.vector_load %arg7[%get3A_258, %get3A_259] {strides = array<i32>} : memref<6400x16xf32, #tpu.memory_space<vmem>>, vector<1x16xf32>,
      %get3A_261 = vector.shape_cast %get3A_260 : vector<1x16xf32> to vector<16xf32>
      %add3A_262 = arith.addf %add3A_228, %get3A_261 : vector<16xf32>
      %add3A_263 = arith.constant 28 : i32
      %add3A_264 = arith.addi %mul3A_22, %add3A_263 : i32
      %get3A_265 = arith.index_cast %add3A_264 : i32 to index
      %get3A_266 = arith.constant 0 : index
      %get3A_267 = tpu.vector_load %arg7[%get3A_265, %get3A_266] {strides = array<i32>} : memref<6400x16xf32, #tpu.memory_space<vmem>>, vector<1x16xf32>,
      %get3A_268 = vector.shape_cast %get3A_267 : vector<1x16xf32> to vector<16xf32>
      %add3A_269 = arith.addf %add3A_235, %get3A_268 : vector<16xf32>
      %add3A_270 = arith.constant 28 : i32
      %add3A_271 = arith.addi %mul3A_22, %add3A_270 : i32
      %add3A_272 = arith.constant 1 : i32
      %add3A_273 = arith.addi %add3A_271, %add3A_272 : i32
      %get3A_274 = arith.index_cast %add3A_273 : i32 to index
      %get3A_275 = arith.constant 0 : index
      %get3A_276 = tpu.vector_load %arg7[%get3A_274, %get3A_275] {strides = array<i32>} : memref<6400x16xf32, #tpu.memory_space<vmem>>, vector<1x16xf32>,
      %get3A_277 = vector.shape_cast %get3A_276 : vector<1x16xf32> to vector<16xf32>
      %add3A_278 = arith.addf %add3A_244, %get3A_277 : vector<16xf32>
      %add3A_279 = arith.constant 28 : i32
      %add3A_280 = arith.addi %mul3A_22, %add3A_279 : i32
      %add3A_281 = arith.constant 2 : i32
      %add3A_282 = arith.addi %add3A_280, %add3A_281 : i32
      %get3A_283 = arith.index_cast %add3A_282 : i32 to index
      %get3A_284 = arith.constant 0 : index
      %get3A_285 = tpu.vector_load %arg7[%get3A_283, %get3A_284] {strides = array<i32>} : memref<6400x16xf32, #tpu.memory_space<vmem>>, vector<1x16xf32>,
      %get3A_286 = vector.shape_cast %get3A_285 : vector<1x16xf32> to vector<16xf32>
      %add3A_287 = arith.addf %add3A_253, %get3A_286 : vector<16xf32>
      %add3A_288 = arith.constant 28 : i32
      %add3A_289 = arith.addi %mul3A_22, %add3A_288 : i32
      %add3A_290 = arith.constant 3 : i32
      %add3A_291 = arith.addi %add3A_289, %add3A_290 : i32
      %get3A_292 = arith.index_cast %add3A_291 : i32 to index
      %get3A_293 = arith.constant 0 : index
      %get3A_294 = tpu.vector_load %arg7[%get3A_292, %get3A_293] {strides = array<i32>} : memref<6400x16xf32, #tpu.memory_space<vmem>>, vector<1x16xf32>,
      %get3A_295 = vector.shape_cast %get3A_294 : vector<1x16xf32> to vector<16xf32>
      %add3A_296 = arith.addf %add3A_262, %get3A_295 : vector<16xf32>
      %add3A_297 = arith.constant 32 : i32
      %add3A_298 = arith.addi %mul3A_22, %add3A_297 : i32
      %get3A_299 = arith.index_cast %add3A_298 : i32 to index
      %get3A_300 = arith.constant 0 : index
      %get3A_301 = tpu.vector_load %arg7[%get3A_299, %get3A_300] {strides = array<i32>} : memref<6400x16xf32, #tpu.memory_space<vmem>>, vector<1x16xf32>,
      %get3A_302 = vector.shape_cast %get3A_301 : vector<1x16xf32> to vector<16xf32>
      %add3A_303 = arith.addf %add3A_269, %get3A_302 : vector<16xf32>
      %add3A_304 = arith.constant 32 : i32
      %add3A_305 = arith.addi %mul3A_22, %add3A_304 : i32
      %add3A_306 = arith.constant 1 : i32
      %add3A_307 = arith.addi %add3A_305, %add3A_306 : i32
      %get3A_308 = arith.index_cast %add3A_307 : i32 to index
      %get3A_309 = arith.constant 0 : index
      %get3A_310 = tpu.vector_load %arg7[%get3A_308, %get3A_309] {strides = array<i32>} : memref<6400x16xf32, #tpu.memory_space<vmem>>, vector<1x16xf32>,
      %get3A_311 = vector.shape_cast %get3A_310 : vector<1x16xf32> to vector<16xf32>
      %add3A_312 = arith.addf %add3A_278, %get3A_311 : vector<16xf32>
      %add3A_313 = arith.constant 32 : i32
      %add3A_314 = arith.addi %mul3A_22, %add3A_313 : i32
      %add3A_315 = arith.constant 2 : i32
      %add3A_316 = arith.addi %add3A_314, %add3A_315 : i32
      %get3A_317 = arith.index_cast %add3A_316 : i32 to index
      %get3A_318 = arith.constant 0 : index
      %get3A_319 = tpu.vector_load %arg7[%get3A_317, %get3A_318] {strides = array<i32>} : memref<6400x16xf32, #tpu.memory_space<vmem>>, vector<1x16xf32>,
      %get3A_320 = vector.shape_cast %get3A_319 : vector<1x16xf32> to vector<16xf32>
      %add3A_321 = arith.addf %add3A_287, %get3A_320 : vector<16xf32>
      %add3A_322 = arith.constant 32 : i32
      %add3A_323 = arith.addi %mul3A_22, %add3A_322 : i32
      %add3A_324 = arith.constant 3 : i32
      %add3A_325 = arith.addi %add3A_323, %add3A_324 : i32
      %get3A_326 = arith.index_cast %add3A_325 : i32 to index
      %get3A_327 = arith.constant 0 : index
      %get3A_328 = tpu.vector_load %arg7[%get3A_326, %get3A_327] {strides = array<i32>} : memref<6400x16xf32, #tpu.memory_space<vmem>>, vector<1x16xf32>,
      %get3A_329 = vector.shape_cast %get3A_328 : vector<1x16xf32> to vector<16xf32>
      %add3A_330 = arith.addf %add3A_296, %get3A_329 : vector<16xf32>
      %add3A_331 = arith.constant 36 : i32
      %add3A_332 = arith.addi %mul3A_22, %add3A_331 : i32
      %get3A_333 = arith.index_cast %add3A_332 : i32 to index
      %get3A_334 = arith.constant 0 : index
      %get3A_335 = tpu.vector_load %arg7[%get3A_333, %get3A_334] {strides = array<i32>} : memref<6400x16xf32, #tpu.memory_space<vmem>>, vector<1x16xf32>,
      %get3A_336 = vector.shape_cast %get3A_335 : vector<1x16xf32> to vector<16xf32>
      %add3A_337 = arith.addf %add3A_303, %get3A_336 : vector<16xf32>
      %add3A_338 = arith.constant 36 : i32
      %add3A_339 = arith.addi %mul3A_22, %add3A_338 : i32
      %add3A_340 = arith.constant 1 : i32
      %add3A_341 = arith.addi %add3A_339, %add3A_340 : i32
      %get3A_342 = arith.index_cast %add3A_341 : i32 to index
      %get3A_343 = arith.constant 0 : index
      %get3A_344 = tpu.vector_load %arg7[%get3A_342, %get3A_343] {strides = array<i32>} : memref<6400x16xf32, #tpu.memory_space<vmem>>, vector<1x16xf32>,
      %get3A_345 = vector.shape_cast %get3A_344 : vector<1x16xf32> to vector<16xf32>
      %add3A_346 = arith.addf %add3A_312, %get3A_345 : vector<16xf32>
      %add3A_347 = arith.constant 36 : i32
      %add3A_348 = arith.addi %mul3A_22, %add3A_347 : i32
      %add3A_349 = arith.constant 2 : i32
      %add3A_350 = arith.addi %add3A_348, %add3A_349 : i32
      %get3A_351 = arith.index_cast %add3A_350 : i32 to index
      %get3A_352 = arith.constant 0 : index
      %get3A_353 = tpu.vector_load %arg7[%get3A_351, %get3A_352] {strides = array<i32>} : memref<6400x16xf32, #tpu.memory_space<vmem>>, vector<1x16xf32>,
      %get3A_354 = vector.shape_cast %get3A_353 : vector<1x16xf32> to vector<16xf32>
      %add3A_355 = arith.addf %add3A_321, %get3A_354 : vector<16xf32>
      %add3A_356 = arith.constant 36 : i32
      %add3A_357 = arith.addi %mul3A_22, %add3A_356 : i32
      %add3A_358 = arith.constant 3 : i32
      %add3A_359 = arith.addi %add3A_357, %add3A_358 : i32
      %get3A_360 = arith.index_cast %add3A_359 : i32 to index
      %get3A_361 = arith.constant 0 : index
      %get3A_362 = tpu.vector_load %arg7[%get3A_360, %get3A_361] {strides = array<i32>} : memref<6400x16xf32, #tpu.memory_space<vmem>>, vector<1x16xf32>,
      %get3A_363 = vector.shape_cast %get3A_362 : vector<1x16xf32> to vector<16xf32>
      %add3A_364 = arith.addf %add3A_330, %get3A_363 : vector<16xf32>
      %add3A_365 = arith.constant 40 : i32
      %add3A_366 = arith.addi %mul3A_22, %add3A_365 : i32
      %get3A_367 = arith.index_cast %add3A_366 : i32 to index
      %get3A_368 = arith.constant 0 : index
      %get3A_369 = tpu.vector_load %arg7[%get3A_367, %get3A_368] {strides = array<i32>} : memref<6400x16xf32, #tpu.memory_space<vmem>>, vector<1x16xf32>,
      %get3A_370 = vector.shape_cast %get3A_369 : vector<1x16xf32> to vector<16xf32>
      %add3A_371 = arith.addf %add3A_337, %get3A_370 : vector<16xf32>
      %add3A_372 = arith.constant 40 : i32
      %add3A_373 = arith.addi %mul3A_22, %add3A_372 : i32
      %add3A_374 = arith.constant 1 : i32
      %add3A_375 = arith.addi %add3A_373, %add3A_374 : i32
      %get3A_376 = arith.index_cast %add3A_375 : i32 to index
      %get3A_377 = arith.constant 0 : index
      %get3A_378 = tpu.vector_load %arg7[%get3A_376, %get3A_377] {strides = array<i32>} : memref<6400x16xf32, #tpu.memory_space<vmem>>, vector<1x16xf32>,
      %get3A_379 = vector.shape_cast %get3A_378 : vector<1x16xf32> to vector<16xf32>
      %add3A_380 = arith.addf %add3A_346, %get3A_379 : vector<16xf32>
      %add3A_381 = arith.constant 40 : i32
      %add3A_382 = arith.addi %mul3A_22, %add3A_381 : i32
      %add3A_383 = arith.constant 2 : i32
      %add3A_384 = arith.addi %add3A_382, %add3A_383 : i32
      %get3A_385 = arith.index_cast %add3A_384 : i32 to index
      %get3A_386 = arith.constant 0 : index
      %get3A_387 = tpu.vector_load %arg7[%get3A_385, %get3A_386] {strides = array<i32>} : memref<6400x16xf32, #tpu.memory_space<vmem>>, vector<1x16xf32>,
      %get3A_388 = vector.shape_cast %get3A_387 : vector<1x16xf32> to vector<16xf32>
      %add3A_389 = arith.addf %add3A_355, %get3A_388 : vector<16xf32>
      %add3A_390 = arith.constant 40 : i32
      %add3A_391 = arith.addi %mul3A_22, %add3A_390 : i32
      %add3A_392 = arith.constant 3 : i32
      %add3A_393 = arith.addi %add3A_391, %add3A_392 : i32
      %get3A_394 = arith.index_cast %add3A_393 : i32 to index
      %get3A_395 = arith.constant 0 : index
      %get3A_396 = tpu.vector_load %arg7[%get3A_394, %get3A_395] {strides = array<i32>} : memref<6400x16xf32, #tpu.memory_space<vmem>>, vector<1x16xf32>,
      %get3A_397 = vector.shape_cast %get3A_396 : vector<1x16xf32> to vector<16xf32>
      %add3A_398 = arith.addf %add3A_364, %get3A_397 : vector<16xf32>
      %add3A_399 = arith.constant 44 : i32
      %add3A_400 = arith.addi %mul3A_22, %add3A_399 : i32
      %get3A_401 = arith.index_cast %add3A_400 : i32 to index
      %get3A_402 = arith.constant 0 : index
      %get3A_403 = tpu.vector_load %arg7[%get3A_401, %get3A_402] {strides = array<i32>} : memref<6400x16xf32, #tpu.memory_space<vmem>>, vector<1x16xf32>,
      %get3A_404 = vector.shape_cast %get3A_403 : vector<1x16xf32> to vector<16xf32>
      %add3A_405 = arith.addf %add3A_371, %get3A_404 : vector<16xf32>
      %add3A_406 = arith.constant 44 : i32
      %add3A_407 = arith.addi %mul3A_22, %add3A_406 : i32
      %add3A_408 = arith.constant 1 : i32
      %add3A_409 = arith.addi %add3A_407, %add3A_408 : i32
      %get3A_410 = arith.index_cast %add3A_409 : i32 to index
      %get3A_411 = arith.constant 0 : index
      %get3A_412 = tpu.vector_load %arg7[%get3A_410, %get3A_411] {strides = array<i32>} : memref<6400x16xf32, #tpu.memory_space<vmem>>, vector<1x16xf32>,
      %get3A_413 = vector.shape_cast %get3A_412 : vector<1x16xf32> to vector<16xf32>
      %add3A_414 = arith.addf %add3A_380, %get3A_413 : vector<16xf32>
      %add3A_415 = arith.constant 44 : i32
      %add3A_416 = arith.addi %mul3A_22, %add3A_415 : i32
      %add3A_417 = arith.constant 2 : i32
      %add3A_418 = arith.addi %add3A_416, %add3A_417 : i32
      %get3A_419 = arith.index_cast %add3A_418 : i32 to index
      %get3A_420 = arith.constant 0 : index
      %get3A_421 = tpu.vector_load %arg7[%get3A_419, %get3A_420] {strides = array<i32>} : memref<6400x16xf32, #tpu.memory_space<vmem>>, vector<1x16xf32>,
      %get3A_422 = vector.shape_cast %get3A_421 : vector<1x16xf32> to vector<16xf32>
      %add3A_423 = arith.addf %add3A_389, %get3A_422 : vector<16xf32>
      %add3A_424 = arith.constant 44 : i32
      %add3A_425 = arith.addi %mul3A_22, %add3A_424 : i32
      %add3A_426 = arith.constant 3 : i32
      %add3A_427 = arith.addi %add3A_425, %add3A_426 : i32
      %get3A_428 = arith.index_cast %add3A_427 : i32 to index
      %get3A_429 = arith.constant 0 : index
      %get3A_430 = tpu.vector_load %arg7[%get3A_428, %get3A_429] {strides = array<i32>} : memref<6400x16xf32, #tpu.memory_space<vmem>>, vector<1x16xf32>,
      %get3A_431 = vector.shape_cast %get3A_430 : vector<1x16xf32> to vector<16xf32>
      %add3A_432 = arith.addf %add3A_398, %get3A_431 : vector<16xf32>
      %add3A_433 = arith.constant 50 : i32
      %add3A_434 = arith.addi %mul3A_22, %add3A_433 : i32
      %sub3A = arith.constant 2 : i32
      %sub3A_435 = arith.subi %add3A_434, %sub3A : i32
      %get3A_436 = arith.index_cast %sub3A_435 : i32 to index
      %get3A_437 = arith.constant 0 : index
      %get3A_438 = tpu.vector_load %arg7[%get3A_436, %get3A_437] {strides = array<i32>} : memref<6400x16xf32, #tpu.memory_space<vmem>>, vector<1x16xf32>,
      %get3A_439 = vector.shape_cast %get3A_438 : vector<1x16xf32> to vector<16xf32>
      %add3A_440 = arith.addf %add3A_405, %get3A_439 : vector<16xf32>
      %add3A_441 = arith.constant 50 : i32
      %add3A_442 = arith.addi %mul3A_22, %add3A_441 : i32
      %sub3A_443 = arith.constant 1 : i32
      %sub3A_444 = arith.subi %add3A_442, %sub3A_443 : i32
      %get3A_445 = arith.index_cast %sub3A_444 : i32 to index
      %get3A_446 = arith.constant 0 : index
      %get3A_447 = tpu.vector_load %arg7[%get3A_445, %get3A_446] {strides = array<i32>} : memref<6400x16xf32, #tpu.memory_space<vmem>>, vector<1x16xf32>,
      %get3A_448 = vector.shape_cast %get3A_447 : vector<1x16xf32> to vector<16xf32>
      %add3A_449 = arith.addf %add3A_414, %get3A_448 : vector<16xf32>
      %add3A_450 = arith.addf %add3A_440, %add3A_449 : vector<16xf32>
      %add3A_451 = arith.addf %add3A_423, %add3A_432 : vector<16xf32>
      %add3A_452 = arith.addf %add3A_450, %add3A_451 : vector<16xf32>
      %swap3A = arith.index_cast %scan3A_20 : i32 to index
      %swap3A_453 = arith.constant 0 : index
      %swap3A_454 = tpu.vector_load %arg8[%swap3A, %swap3A_453] {strides = array<i32>} : memref<128x16xf32, #tpu.memory_space<vmem>>, vector<1x16xf32>,
      %swap3A_455 = vector.shape_cast %swap3A_454 : vector<1x16xf32> to vector<16xf32>
      %swap3A_456 = vector.shape_cast %add3A_452 : vector<16xf32> to vector<1x16xf32>
      tpu.vector_store %arg8[%swap3A, %swap3A_453], %swap3A_456 {strides = array<i32>} : memref<128x16xf32, #tpu.memory_space<vmem>>, vector<1x16xf32>,
    }
    %scan3A_17 = arith.constant 128 : i32
    %mul3A_18 = arith.constant 128 : i32
    %mul3A_19 = arith.muli %add3A, %mul3A_18 : i32
    "tpu.region"() ({
      %run_scoped3A = tpu.sem_alloc : memref<!tpu.dma_semaphore, #tpu.memory_space<semaphore_mem>>
      %dma_start3A = arith.constant 0 : i32
      %dma_start3A_20 = tpu.memref_slice %arg5[%mul3A_19, %dma_start3A] : memref<4096x16xf32, #tpu.memory_space<hbm>> -> memref<128x16xf32, #tpu.memory_space<hbm>>
      %dma_start3A_21 = arith.constant 0 : i32
      %dma_start3A_22 = tpu.memref_slice %arg5[%mul3A_19, %dma_start3A_21] : memref<4096x16xf32, #tpu.memory_space<hbm>> -> memref<128x16xf32, #tpu.memory_space<hbm>>
      tpu.enqueue_dma source(%arg8 : memref<128x16xf32, #tpu.memory_space<vmem>>) target(%dma_start3A_22 : memref<128x16xf32, #tpu.memory_space<hbm>>) target_semaphore(%run_scoped3A : memref<!tpu.dma_semaphore, #tpu.memory_space<semaphore_mem>>)
      %dma_wait3A_23 = arith.constant 0 : i32
      %dma_wait3A_24 = tpu.memref_slice %arg5[%mul3A_19, %dma_wait3A_23] : memref<4096x16xf32, #tpu.memory_space<hbm>> -> memref<128x16xf32, #tpu.memory_space<hbm>>
      %dma_wait3A_25 = arith.constant 0 : i32
      %dma_wait3A_26 = tpu.memref_slice %arg5[%mul3A_19, %dma_wait3A_25] : memref<4096x16xf32, #tpu.memory_space<hbm>> -> memref<128x16xf32, #tpu.memory_space<hbm>>
      tpu.wait_dma2 semaphore(%run_scoped3A : memref<!tpu.dma_semaphore, #tpu.memory_space<semaphore_mem>>) src(%arg8 : memref<128x16xf32, #tpu.memory_space<vmem>>) dst(%dma_wait3A_26 : memref<128x16xf32, #tpu.memory_space<hbm>>)
      tpu.yield
    }) : () -> ()
    return
  }
}

module attributes {stable_mosaic.version = 14 : i64} {
  func.func @_proj_body(%arg0: i32, %arg1: memref<300x8192xf32, #tpu.memory_space<vmem>>, %arg2: memref<300x16xf32, #tpu.memory_space<vmem>>, %arg3: memref<8192x16xf32, #tpu.memory_space<vmem>>) attributes {dimension_semantics = [#tpu.dimension_semantics<arbitrary>], iteration_bounds = array<i64: 13>, scalar_prefetch = 0 : i64, scratch_operands = 0 : i64, tpu.core_type = #tpu.core_type<tc>, window_params = [{transform_indices = @transform_0, window_bounds = array<i64: 300, 8192>}, {pipeline_mode = #tpu.pipeline_mode<synchronous>, transform_indices = @transform_1, window_bounds = array<i64: 300, 16>}, {transform_indices = @transform_2, window_bounds = array<i64: 8192, 16>}]} {
    %get3A = arith.constant 0 : index
    %get3A_0 = arith.constant 0 : index
    %get3A_1 = vector.load %arg1[%get3A, %get3A_0] : memref<300x8192xf32, #tpu.memory_space<vmem>>, vector<300x8192xf32>
    %get3A_2 = arith.constant 0 : index
    %get3A_3 = arith.constant 0 : index
    %get3A_4 = vector.load %arg2[%get3A_2, %get3A_3] : memref<300x16xf32, #tpu.memory_space<vmem>>, vector<300x16xf32>
    %dot_general3A = arith.constant dense<0.000000e+00> : vector<8192x16xf32>
    %dot_general3A_5 = tpu.matmul %get3A_1, %get3A_4, %dot_general3A {dimension_numbers = #tpu.dot_dimension_numbers<[0], [0], [1], [1], [0, 1, 1, 1], [], []>, transpose_lhs_hint = false} : vector<300x8192xf32>, vector<300x16xf32>, vector<8192x16xf32> -> vector<8192x16xf32>
    %swap3A = arith.constant 0 : index
    %swap3A_6 = arith.constant 0 : index
    %swap3A_7 = vector.load %arg3[%swap3A, %swap3A_6] : memref<8192x16xf32, #tpu.memory_space<vmem>>, vector<8192x16xf32>
    tpu.vector_store %arg3[%swap3A, %swap3A_6], %dot_general3A_5 {strides = array<i32>} : memref<8192x16xf32, #tpu.memory_space<vmem>>, vector<8192x16xf32>,
    return
  }
  func.func @transform_0(%arg0: i32) -> (i32, i32) {
    %c0_i32 = arith.constant 0 : i32
    %c0_i32_0 = arith.constant 0 : i32
    return %c0_i32, %arg0 : i32, i32
  }
  func.func @transform_1(%arg0: i32) -> (i32, i32) {
    %c0_i32 = arith.constant 0 : i32
    %c0_i32_0 = arith.constant 0 : i32
    %c0_i32_1 = arith.constant 0 : i32
    return %c0_i32, %c0_i32_0 : i32, i32
  }
  func.func @transform_2(%arg0: i32) -> (i32, i32) {
    %c0_i32 = arith.constant 0 : i32
    %c0_i32_0 = arith.constant 0 : i32
    return %arg0, %c0_i32 : i32, i32
  }
}

</mosaic_0001>

<sc_bundles>
// kernel: kernel.4.cloned.1.call-start
scs
__scs_entry_jumppad:
0x0: {  	(pc) =	sbr.rel $0x88, $3  }
0x1: {  	(tag) =	ssettag $0x0;
	lr =	simm.s32 $0x1  }
0x2: {  	[smem:$0x3F9D] =	sst lr;
	_ =	strace $0xD0000000  }
0x3: {  	_ = 	snop  }
0x4: {  	_ = 	snop  }
0x5: {  	_ = 	snop  }
0x6: {  	_ = 	snop  }
0x7: {  	_ = 	snop  }
__scs_overlays_trampoline_lowered:
0x8: {  	[smem:$0x3FAC] =	sst s0  }
0x9: {  	[smem:$0x3FAD] =	sst s1  }
0xa: {  	[smem:$0x3FAE] =	sst s2  }
0xb: {  	[smem:$0x3FAF] =	sst s3  }
0xc: {  	[smem:$0x3FB0] =	sst s4  }
0xd: {  	[smem:$0x3FB1] =	sst s5  }
0xe: {  	[smem:$0x3FB2] =	sst s6  }
0xf: {  	[smem:$0x3FB3] =	sst s7  }
0x10: {  	[smem:$0x3FB4] =	sst s8  }
0x11: {  	[smem:$0x3FB5] =	sst s9;
	s0 =	simm.s32 @!p0 $0x0  }
0x12: {  	s1 =	sld [smem:$0x3F9B];
	s0 =	simm.s32 @p0 $0x1  }
0x13: {  	[smem:$0x3FB6] =	sst s0;
	s0 =	simm.s32 @!p1 $0x0  }
0x14: {  	s2 =	sld [smem:$0x3F9A];
	s0 =	simm.s32 @p1 $0x1  }
0x15: {  	[smem:$0x3FB7] =	sst s0;
	s0 =	simm.s32 @!p2 $0x0  }
0x16: {  	s3 =	sld [smem:$0x3FDB];
	s0 =	simm.s32 @p2 $0x1  }
0x17: {  	s4 =	simm.s32 $0x1BF5;
	[smem:$0x3FB9] =	sst s0  }
0x18: {  	s0 =	sld [smem:$0x3F9C];
	_ =	swait.ge [sflag:s4], $0x0  }
0x19: {  	s7 =	sld [smem:$0x3F9D]  }
0x1a: {  	s8 =	sadd.s32 $0xFFFFE003, lr  }
0x1b: {  	s9 =	sadd.s32 $0xFFFFFEF7, lr;
	s5 =	simm.s32 $0xFFFFFFFF;
	p2 =	slt.u32 s8, $0xFFFFF086  }
0x1c: {  	p1 =	slt.u32 s9, $0xF7A;
	s5 =	simm.s32 @!p2 $0x0  }
0x1d: {  	s5 =	simm.s32 @p1 $0x1;
	p0 =	seq.s32 s7, s2  }
0x1e: {  	s7 =	smul.u32 @!p0 $0xF7A, s2;
	p2 =	seq.s32 @!p0 s5, $0x0  }
0x1f: {  	s9 =	smul.u32 $0xF7A, s1;
	s8 =	simm.s32 @!p0 $0x1BF5;
	p2 =	por !p2, p0  }
0x20: {  	[sflag:s8] =	ssyncset.s32 @!p0 $0xFFFFF086;
	s6 =	sadd.s32 @!p0 s3, s7;
	s7 =	simm.s32 @!p0 $0x108  }
0x21: {  	s3 =	sadd.s32 s3, s9;
	s6 =	sadd.s32 @!p0 $0x88, s6;
	s7 =	simm.s32 @p2 $0x1082  }
0x22: {  	[simem:s7], [sflag:s8] =	dma.local @!p0 [hbm:s6], $0xF7A  }
0x23: {  	s9 =	sor.u32 $0xD0000000, s2;
	s6 =	simm.s32 $0x108;
	_ =	swait.ge @!p0 [sflag:s8], $0x0  }
0x24: {  	s3 =	sadd.s32 $0x88, s3;
	s6 =	simm.s32 @!p1 $0x1082;
	[sflag:s4] =	ssyncset.s32 $0xFFFFF086  }
0x25: {  	[simem:s6], [sflag:s4] =	dma.local [hbm:s3], $0xF7A  }
0x26: {  	[smem:$0x3F9D] =	sst s1;
	(tag) =	ssettag s2;
	_ =	strace s9  }
0x27: {  	s1 =	sld [smem:$0x3FAD]  }
0x28: {  	s2 =	sld [smem:$0x3FAE]  }
0x29: {  	s4 =	sld [smem:$0x3FB0]  }
0x2a: {  	p0 =	seq.s32 s5, $0x0;
	s5 =	sld [smem:$0x3FB1]  }
0x2b: {  	s6 =	sld [smem:$0x3FB2]  }
0x2c: {  	s7 =	sld [smem:$0x3FB3]  }
0x2d: {  	s3 =	simm.s32 $0x108;
	s8 =	sld [smem:$0x3FB4]  }
0x2e: {  	s3 =	simm.s32 @!p0 $0x1082;
	s9 =	sld [smem:$0x3FB5]  }
0x2f: {  	lr =	sadd.s32 s0, s3;
	s0 =	sld [smem:$0x3FAC]  }
0x30: {  	s3 =	sld [smem:$0x3FAF]  }
0x31: {  	[smem:$0x3FB8] =	sst s10  }
0x32: {  	s10 =	sld [smem:$0x3FB6];
	_ =	sdelay $0x3  }
0x33: {  	p0 =	seq.s32 s10, $0x1;
	s10 =	sld [smem:$0x3FB8];
	_ =	sdelay $0x3  }
0x34: {  	[smem:$0x3FB8] =	sst s10  }
0x35: {  	s10 =	sld [smem:$0x3FB7];
	_ =	sdelay $0x3  }
0x36: {  	p1 =	seq.s32 s10, $0x1;
	s10 =	sld [smem:$0x3FB8];
	_ =	sdelay $0x3  }
0x37: {  	[smem:$0x3FB8] =	sst s10  }
0x38: {  	s10 =	sld [smem:$0x3FB9]  }
0x39: {  	_ = 	snop;
	(pc) =	sbr.ind lr, $3  }
0x3a: {  	_ = 	snop  }
0x3b: {  	_ = 	snop  }
0x3c: {  	p2 =	seq.s32 s10, $0x1;
	s10 =	sld [smem:$0x3FB8]  }
0x3d: {  	_ =	shalt  }
0x3e: {  	_ =	shalt  }
0x3f: {  	_ =	shalt  }
0x40: {  	_ =	shalt  }
0x41: {  	_ =	shalt  }
0x42: {  	_ =	shalt  }
0x43: {  	_ =	shalt  }
0x44: {  	_ =	shalt  }
0x45: {  	_ =	shalt  }
0x46: {  	_ =	shalt  }
0x47: {  	_ =	shalt  }
0x48: {  	_ =	shalt  }
0x49: {  	_ =	shalt  }
0x4a: {  	_ =	shalt  }
0x4b: {  	_ =	shalt  }
0x4c: {  	_ =	shalt  }
0x4d: {  	_ =	shalt  }
0x4e: {  	_ =	shalt  }
0x4f: {  	_ =	shalt  }
0x50: {  	_ =	shalt  }
0x51: {  	_ =	shalt  }
0x52: {  	_ =	shalt  }
0x53: {  	_ =	shalt  }
0x54: {  	_ =	shalt  }
0x55: {  	_ =	shalt  }
0x56: {  	_ =	shalt  }
0x57: {  	_ =	shalt  }
0x58: {  	_ =	shalt  }
0x59: {  	_ =	shalt  }
0x5a: {  	_ =	shalt  }
0x5b: {  	_ =	shalt  }
0x5c: {  	_ =	shalt  }
0x5d: {  	_ =	shalt  }
0x5e: {  	_ =	shalt  }
0x5f: {  	_ =	shalt  }
0x60: {  	_ =	shalt  }
0x61: {  	_ =	shalt  }
0x62: {  	_ =	shalt  }
0x63: {  	_ =	shalt  }
0x64: {  	_ =	shalt  }
0x65: {  	_ =	shalt  }
0x66: {  	_ =	shalt  }
0x67: {  	_ =	shalt  }
0x68: {  	_ =	shalt  }
0x69: {  	_ =	shalt  }
0x6a: {  	_ =	shalt  }
0x6b: {  	_ =	shalt  }
0x6c: {  	_ =	shalt  }
0x6d: {  	_ =	shalt  }
0x6e: {  	_ =	shalt  }
0x6f: {  	_ =	shalt  }
0x70: {  	_ =	shalt  }
0x71: {  	_ =	shalt  }
0x72: {  	_ =	shalt  }
0x73: {  	_ =	shalt  }
0x74: {  	_ =	shalt  }
0x75: {  	_ =	shalt  }
0x76: {  	_ =	shalt  }
0x77: {  	_ =	shalt  }
0x78: {  	_ =	shalt  }
0x79: {  	_ =	shalt  }
0x7a: {  	_ =	shalt  }
0x7b: {  	_ =	shalt  }
0x7c: {  	_ =	shalt  }
0x7d: {  	_ =	shalt  }
0x7e: {  	_ =	shalt  }
0x7f: {  	_ =	shalt  }
0x80: {  	_ =	shalt  }
0x81: {  	_ =	shalt  }
0x82: {  	_ =	shalt  }
0x83: {  	_ =	shalt  }
0x84: {  	_ =	shalt  }
0x85: {  	_ =	shalt  }
0x86: {  	_ =	shalt  }
0x87: {  	_ =	shalt  }
.Lfunc_end0:
.L_simem_size_0:
called_computation_lowered:
.L_overlay_start_0:
0x88: {  	s2 =	sld [smem:$0x3FD9]  }
0x89: {  	s3 =	sld [smem:$0x3FFE];
	_ =	sdelay $0x1  }
0x8a: {  	s1 =	srdreg.scid  }
0x8b: {  	s0 =	sand.u32 $0x1, s1  }
0x8c: {  	s17 =	sshll.u32 s0, $0xA;
	s2 =	sadd.s32 s3, s2  }
0x8d: {  	s2 =	sadd.s32 s2, s17  }
0x8e: {  	[smem:$0x3FC4] =	sst s2  }
0x8f: {  	_ = 	snop  }
0x90: {  	s2 =	sld [smem:$0x3FD0];
	(tm) =	ssettm $0x1  }
0x91: {  	s18 =	sld [smem:$0x3FFB];
	_ =	sdelay $0x3  }
0x92: {  	_ =	strace s18  }
0x93: {  	s3 =	sld [smem:$0x3FFC];
	_ =	sdelay $0x3  }
0x94: {  	_ =	strace s3  }
0x95: {  	s3 =	sld [smem:$0x3FFD];
	_ =	sdelay $0x3  }
0x96: {  	_ =	strace s3  }
0x97: {  	_ =	strace $0x8FFFFFFF  }
0x98: {  	s19 =	sld [smem:$0x3FDB];
	_ =	sdelay $0x1  }
0x99: {  	s4 =	simm.s32 $_scs_section_size  }
0x9a: {  	s5 =	simm.s32 $_size__tile_overlayer_lowered;
	s6 =	simm.s32 $_tile_overlayer_lowered  }
0x9b: {  	s22 =	simm.s32 $0x1BFF;
	s21 =	sshll.u32 s6, $0x1;
	s3 =	sadd.s32 s4, s19  }
0x9c: {  	s7 =	simm.s32 $0x0;
	s20 =	sshll.u32 s5, $0x1;
	s5 =	sadd.s32 s21, s3  }
0x9d: {  	[timem:s7], [sflag:s22] =	dma.local [hbm:s5], s20  }
0x9e: {  	_ =	swait.ge [sflag:s22], s20  }
0x9f: {  	s4 =	ssub.s32 $0x0, s20;
	[sflag:s22] =	ssyncset.done $0x0  }
0xa0: {  	[sflag:s22] =	ssyncadd.s32 s4;
	_ =	sdelay $0x1  }
0xa1: {  	s23 =	simm.s32 $0x1B8B  }
0xa2: {  	_ =	swait.ge [sflag:s23], $0x1  }
0xa3: {  	[sflag:s23] =	ssyncset.done $0x0  }
0xa4: {  	s25 =	simm.s32 $0x1B8E;
	s24 =	sld [smem:$0x3FFE];
	[sflag:s23] =	ssyncadd.s32 $0xFFFFFFFF  }
0xa5: {  	s26 =	simm.s32 $execute0_lowered;
	[smem:$0x3FD2] =	sst s25  }
0xa6: {  	s5 =	sshll.u32 s26, $0x1;
	_ =	strace $0x80000046;
	[dreg:$0x1] =	wrdreg $0xFFFFFFFF  }
0xa7: {  	s28 =	simm.s32 $_size_execute0_lowered;
	s3 =	sadd.s32 s3, s5;
	[dreg:$0x0] =	wrdreg $0x0  }
0xa8: {  	s5 =	sshll.u32 s28, $0x1;
	[dreg:$0x2] =	wrdreg s3  }
0xa9: {  	[dreg:$0x3] =	wrdreg s5  }
0xaa: {  	[dreg:$0x4] =	wrdreg $0xC0  }
0xab: {  	_ =	task [dreg:s7], $0x5FFFF  }
0xac: {  	[dreg:$0x1] =	wrdreg $0xFFFFFFFF  }
0xad: {  	[dreg:$0x0] =	wrdreg $0x60  }
0xae: {  	[dreg:$0x2] =	wrdreg s24  }
0xaf: {  	[dreg:$0x3] =	wrdreg s2  }
0xb0: {  	[dreg:$0x4] =	wrdreg $0x9  }
0xb1: {  	_ =	task.clear_ibuf [dreg:s7], $0x5FFFF;
	_ =	strace $0x90000046  }
0xb2: {  	s29 =	simm.s32 $0x9;
	_ =	strace $0x80000048  }
0xb3: {  	_ =	swait.ge [sflag:s29], $0x1  }
0xb4: {  	[sflag:s29] =	ssyncadd.s32 $0xFFFFFFFF  }
0xb5: {  	_ =	strace $0x90000048  }
0xb6: {  	_ =	sfence  }
0xb7: {  	s30 =	sld [smem:$0x0];
	_ =	sdelay $0x2  }
0xb8: {  	s31 =	sshll.u32 s1, $0xD;
	s1 =	sshrl.u32 s1, $0x2  }
0xb9: {  	s3 =	sand.u32 $0x4000, s31;
	s1 =	sadd.s32 s1, s30  }
0xba: {  	s0 =	sor.u32 s3, s0;
	s1 =	sshll.u32 s1, $0x11  }
0xbb: {  	s0 =	sor.u32 s1, s0  }
0xbc: {  	s0 =	sadd.s32 $0x8F2B, s0  }
0xbd: {  	[sflag:s0] =	ssyncadd.remote.s32 $0x1  }
0xbe: {  	_ =	sfence.sel $0xFFFF  }
0xbf: {  	[dreg:$0x0] =	wrdreg $0xFFFFFFFF;
	(pc) =	sbr.abs _section_cstart, $3  }
0xc0: {  	[dreg:$0x1] =	wrdreg $0xFFFFFFFF  }
0xc1: {  	_ =	task.clear_ibuf [dreg:s7], $0x2FFFF;
	_ =	strace $0x9FFFFFFF  }
0xc2: {  	(tm) =	ssettm $0x7FFFFFFF  }
0xc3: {  	_ =	shalt  }
tec
execute0_lowered:
.L_overlay_start_1:
0x0: {  	(tag) =	ssettag $0x1  }
0x1: {  	s5 =	rddreg [dreg:$0x0];
	s1 =	srdreg.scid  }
0x2: {  	s0 =	stileid.u32;
	s2 =	rddreg [dreg:$0x1]  }
0x3: {  	s3 =	simm.s32 $0x0;
	s10 =	simm.s32 $0x80;
	s11 =	simm.s32 $0x1  }
0x4: {  	s12 =	simm.s32 $0x1A900;
	s4 =	sand.u32 $0x1, s1;
	s1 =	rddreg [dreg:$0x2]  }
0x5: {  	s13 =	simm.s32 $0x0;
	s6 =	sshll.u32 s0, $0x1;
	[smem:$0x7FF] =	sst s3  }
0x6: {  	s6 =	sor.u32 s4, s6;
	_ =	strace $0x80000047;
	s8 =	ssub.s32 $0x2, s4  }
0x7: {  	s7 =	smul.u32 $0x320, s6;
	s6 =	sshll.u32 s6, $0x8;
	s9 =	sshrl.u32 s8, $0x1  }
0x8: {  	s4 =	sadd.s32 $0x187200, s5;
	s6 =	sadd.s32 s6, s5;
	s8 =	ssub.s32 s8, s9  }
0x9: {  	s9 =	simm.s32 $0x1B100;
	s7 =	sadd.s32 s7, s5;
	s6 =	sadd.s32 $0x6C00, s6  }
0xa: {  	s5 =	sadd.s32 $0x800, s7;
	s7 =	smax.u32 s8, $0x1;
	s8 =	simm.s32 $0x2  }
.LBB2_1:
0xb: {  	[tilespmem:s3], [sflag:$0x2] =	stream.linear.gather [hbm4b:s5+s3], $0x1900, $0x38;
	[tilespmem:$0x1B110] =	vst v63  }
0xc: {  	_ =	swait.ge [sflag:s8], $0x1900  }
0xd: {  	[sflag:s8] =	ssyncset.done $0x0  }
0xe: {  	[sflag:s8] =	ssyncadd.s32 $0xFFFFE700  }
0xf: {  	[tilespmem:s9], [sflag:$0x2] =	stream.linear.gather [hbm4b:s2+s3], $0x10, $0x38;
	[tilespmem:$0x1B110] =	vst v63  }
0x10: {  	_ =	swait.ge [sflag:s8], $0x10  }
0x11: {  	s14 =	simm.s32 $0x1900;
	s15 =	simm.s32 $0x200;
	[sflag:s8] =	ssyncset.done $0x0  }
0x12: {  	s17 =	simm.s32 $0x0;
	s16 =	simm.s32 $0x2100;
	[sflag:s8] =	ssyncadd.s32 $0xFFFFFFF0  }
.LBB2_2:
0x13: {  	[tilespmem:s14], [sflag:$0x1] =	stream.indirect.gather [hbm4b:s4+s10], $0x10, s17, s10, $0xb8;
	[tilespmem:$0x1B110] =	vst v63  }
0x14: {  	s17 =	smov.u32 s15;
	s14 =	smov.u32 s16;
	p0 =	sne.s32 s15, $0x6200  }
.Ltmp0:
0x15: {  	s15 =	sadd.s32 $0x200, s15;
	(pc) =	sbr.rel @p0 .LBB2_2-.Ltmp0, $2  }
0x16: {  	_ =	sdelay $0x2  }
0x17: {  	s16 =	sadd.s32 $0x800, s16;
	s17 =	sshra.s32 s17, $0x2  }
0x18: {  	[tilespmem:s14], [sflag:$0x1] =	stream.indirect.gather [hbm4b:s4+s10], $0x10, s17, s10, $0xb8;
	[tilespmem:$0x1B110] =	vst v63  }
0x19: {  	_ =	swait.ge [sflag:s11], $0x19000  }
0x1a: {  	[sflag:s11] =	ssyncset.done $0x0  }
0x1b: {  	s14 =	simm.s32 $0x1A90;
	[sflag:s11] =	ssyncadd.s32 $0xFFFE7000  }
0x1c: {  	v0 =	vld [tilespmem:s14+$0x170]  }
0x1d: {  	v1 =	vld [tilespmem:s14+$0x150]  }
0x1e: {  	v2 =	vld [tilespmem:s14+$0x130]  }
0x1f: {  	v3 =	vld [tilespmem:s14+$0x110]  }
0x20: {  	v4 =	vld [tilespmem:s14+$0xF0]  }
0x21: {  	v5 =	vld [tilespmem:s14+$0xD0]  }
0x22: {  	v6 =	vld [tilespmem:s14+$0xB0]  }
0x23: {  	v7 =	vld [tilespmem:s14+$0x90]  }
0x24: {  	v8 =	vld [tilespmem:s14+$0x70]  }
0x25: {  	v9 =	vld [tilespmem:s14+$0x50]  }
0x26: {  	v10 =	vld [tilespmem:s14+$0x30]  }
0x27: {  	v11 =	vld [tilespmem:s14+$0x10]  }
0x28: {  	v12 =	vld [tilespmem:s14+$0xFFFFFFF0]  }
0x29: {  	v13 =	vld [tilespmem:s14+$0xFFFFFFD0]  }
0x2a: {  	v14 =	vld [tilespmem:s14+$0xFFFFFFB0]  }
0x2b: {  	v15 =	vld [tilespmem:s14+$0xFFFFFF90]  }
0x2c: {  	v16 =	vld [tilespmem:s14+$0xFFFFFF70]  }
0x2d: {  	v17 =	vld [tilespmem:s14+$0xFFFFFF50]  }
0x2e: {  	v18 =	vld [tilespmem:s14+$0xFFFFFF30]  }
0x2f: {  	v19 =	vld [tilespmem:s14+$0xFFFFFF10]  }
0x30: {  	v20 =	vld [tilespmem:s14+$0xFFFFFEF0]  }
0x31: {  	v21 =	vld [tilespmem:s14+$0xFFFFFED0]  }
0x32: {  	v22 =	vld [tilespmem:s14+$0xFFFFFEB0]  }
0x33: {  	v23 =	vld [tilespmem:s14+$0xFFFFFE90]  }
0x34: {  	v24 =	vld [tilespmem:s14+$0xFFFFFE70]  }
0x35: {  	v25 =	vld [tilespmem:$0x1B100]  }
0x36: {  	s15 =	simm.s32 $0x0;
	s16 =	simm.s32 $0x40;
	v26 =	vld [tilespmem:s14+$0xFFFFFE80]  }
.LBB2_4:
0x37: {  	p0 =	sne.s32 s16, $0x1FC0;
	v27 =	vld [tilespmem:s14+$0xFFFFFEA0]  }
0x38: {  	v28 =	vld [tilespmem:s14+$0xFFFFFEC0]  }
0x39: {  	v29 =	vld [tilespmem:s14+$0xFFFFFEE0]  }
0x3a: {  	v30 =	vld [tilespmem:s14+$0xFFFFFF00]  }
0x3b: {  	v24 =	vadd.f32 v24, v25;
	v25 =	vadd.f32 $0.0e+00, v26;
	v26 =	vld [tilespmem:s14+$0xFFFFFF20]  }
0x3c: {  	v23 =	vadd.f32 $0.0e+00, v23;
	v27 =	vadd.f32 $0.0e+00, v27;
	v31 =	vld [tilespmem:s14+$0xFFFFFF40]  }
0x3d: {  	v22 =	vadd.f32 v22, v24;
	v24 =	vadd.f32 v28, v25;
	v25 =	vld [tilespmem:s14+$0xFFFFFF60]  }
0x3e: {  	v21 =	vadd.f32 v21, v23;
	v23 =	vadd.f32 v29, v27;
	v27 =	vld [tilespmem:s14+$0xFFFFFF80]  }
0x3f: {  	v20 =	vadd.f32 v20, v22;
	v22 =	vadd.f32 v30, v24;
	v24 =	vld [tilespmem:s14+$0xFFFFFFA0]  }
0x40: {  	v19 =	vadd.f32 v19, v21;
	v21 =	vadd.f32 v26, v23;
	v23 =	vld [tilespmem:s14+$0xFFFFFFC0]  }
0x41: {  	v18 =	vadd.f32 v18, v20;
	v20 =	vadd.f32 v31, v22;
	v22 =	vld [tilespmem:s14+$0xFFFFFFE0]  }
0x42: {  	v17 =	vadd.f32 v17, v19;
	v19 =	vadd.f32 v25, v21;
	v21 =	vld [tilespmem:s14+$0x0]  }
0x43: {  	v16 =	vadd.f32 v16, v18;
	v18 =	vadd.f32 v27, v20;
	v20 =	vld [tilespmem:s14+$0x20]  }
0x44: {  	v15 =	vadd.f32 v15, v17;
	v17 =	vadd.f32 v24, v19;
	v19 =	vld [tilespmem:s14+$0x40]  }
0x45: {  	v14 =	vadd.f32 v14, v16;
	v16 =	vadd.f32 v23, v18;
	v18 =	vld [tilespmem:s14+$0x60]  }
0x46: {  	v13 =	vadd.f32 v13, v15;
	v15 =	vadd.f32 v22, v17;
	v17 =	vld [tilespmem:s14+$0x80]  }
0x47: {  	v12 =	vadd.f32 v12, v14;
	v14 =	vadd.f32 v21, v16;
	v16 =	vld [tilespmem:s14+$0xA0]  }
0x48: {  	v11 =	vadd.f32 v11, v13;
	v13 =	vadd.f32 v20, v15;
	v15 =	vld [tilespmem:s14+$0xC0]  }
0x49: {  	v10 =	vadd.f32 v10, v12;
	v12 =	vadd.f32 v19, v14;
	v14 =	vld [tilespmem:s14+$0xE0]  }
0x4a: {  	v9 =	vadd.f32 v9, v11;
	v11 =	vadd.f32 v18, v13;
	v13 =	vld [tilespmem:s14+$0x100]  }
0x4b: {  	v8 =	vadd.f32 v8, v10;
	v10 =	vadd.f32 v17, v12;
	v12 =	vld [tilespmem:s14+$0x120]  }
0x4c: {  	v7 =	vadd.f32 v7, v9;
	v9 =	vadd.f32 v16, v11;
	v11 =	vld [tilespmem:s14+$0x140]  }
0x4d: {  	v6 =	vadd.f32 v6, v8;
	v8 =	vadd.f32 v15, v10;
	v10 =	vld [tilespmem:s14+$0x160]  }
0x4e: {  	v5 =	vadd.f32 v5, v7;
	v7 =	vadd.f32 v14, v9;
	v9 =	vld [tilespmem:s14+$0x180]  }
0x4f: {  	v4 =	vadd.f32 v4, v6;
	v6 =	vadd.f32 v13, v8  }
0x50: {  	v3 =	vadd.f32 v3, v5;
	v5 =	vadd.f32 v12, v7  }
0x51: {  	v2 =	vadd.f32 v2, v4;
	v4 =	vadd.f32 v11, v6  }
0x52: {  	v1 =	vadd.f32 v1, v3;
	v3 =	vadd.f32 v10, v5  }
0x53: {  	v0 =	vadd.f32 v0, v2;
	v2 =	vadd.f32 v9, v4;
	_ =	sdelay $0x1  }
0x54: {  	v1 =	vadd.f32 v3, v1;
	v0 =	vadd.f32 v2, v0;
	_ =	sdelay $0x1  }
0x55: {  	v0 =	vadd.f32 v0, v1  }
0x56: {  	s17 =	sshra.s32 s15, $0x2;
	s15 =	smov.u32 s16  }
0x57: {  	s14 =	sadd.s32 $0x320, s14;
	[tilespmem:s17+$0x1A900] =	vst v0  }
0x58: {  	v0 =	vld [tilespmem:s14+$0x170]  }
0x59: {  	v1 =	vld [tilespmem:s14+$0x150]  }
0x5a: {  	v2 =	vld [tilespmem:s14+$0x130]  }
0x5b: {  	v3 =	vld [tilespmem:s14+$0x110]  }
0x5c: {  	v4 =	vld [tilespmem:s14+$0xF0]  }
0x5d: {  	v5 =	vld [tilespmem:s14+$0xD0]  }
0x5e: {  	v6 =	vld [tilespmem:s14+$0xB0]  }
0x5f: {  	v7 =	vld [tilespmem:s14+$0x90]  }
0x60: {  	v8 =	vld [tilespmem:s14+$0x70]  }
0x61: {  	v9 =	vld [tilespmem:s14+$0x50]  }
0x62: {  	v10 =	vld [tilespmem:s14+$0x30]  }
0x63: {  	v11 =	vld [tilespmem:s14+$0x10]  }
0x64: {  	v12 =	vld [tilespmem:s14+$0xFFFFFFF0]  }
0x65: {  	v13 =	vld [tilespmem:s14+$0xFFFFFFD0]  }
0x66: {  	v14 =	vld [tilespmem:s14+$0xFFFFFFB0]  }
0x67: {  	v15 =	vld [tilespmem:s14+$0xFFFFFF90]  }
0x68: {  	v16 =	vld [tilespmem:s14+$0xFFFFFF70]  }
0x69: {  	v17 =	vld [tilespmem:s14+$0xFFFFFF50]  }
0x6a: {  	v18 =	vld [tilespmem:s14+$0xFFFFFF30]  }
0x6b: {  	v19 =	vld [tilespmem:s14+$0xFFFFFF10]  }
0x6c: {  	v20 =	vld [tilespmem:s14+$0xFFFFFEF0]  }
0x6d: {  	v21 =	vld [tilespmem:s14+$0xFFFFFED0]  }
.Ltmp1:
0x6e: {  	v22 =	vld [tilespmem:s14+$0xFFFFFEB0];
	(pc) =	sbr.rel @p0 .LBB2_4-.Ltmp1, $4  }
0x6f: {  	v23 =	vld [tilespmem:s14+$0xFFFFFE90]  }
0x70: {  	v24 =	vld [tilespmem:s14+$0xFFFFFE70]  }
0x71: {  	v25 =	vld [tilespmem:$0x1B100]  }
0x72: {  	s16 =	sadd.s32 $0x40, s16;
	v26 =	vld [tilespmem:s14+$0xFFFFFE80]  }
0x73: {  	v27 =	vld [tilespmem:s14+$0xFFFFFEA0]  }
0x74: {  	v28 =	vld [tilespmem:s14+$0xFFFFFEC0]  }
0x75: {  	v29 =	vld [tilespmem:s14+$0xFFFFFEE0]  }
0x76: {  	v30 =	vld [tilespmem:s14+$0xFFFFFF00]  }
0x77: {  	v58 =	vld [tilespmem:s14+$0xFFFFFF20];
	v24 =	vadd.f32 v24, v25;
	v57 =	vadd.f32 $0.0e+00, v26  }
0x78: {  	v31 =	vld [tilespmem:s14+$0xFFFFFF40];
	v23 =	vadd.f32 $0.0e+00, v23;
	v27 =	vadd.f32 $0.0e+00, v27  }
0x79: {  	v60 =	vld [tilespmem:s14+$0xFFFFFF60];
	v22 =	vadd.f32 v22, v24;
	v59 =	vadd.f32 v28, v57  }
0x7a: {  	v62 =	vld [tilespmem:s14+$0xFFFFFF80];
	v21 =	vadd.f32 v21, v23;
	v61 =	vadd.f32 v29, v27  }
0x7b: {  	v28 =	vld [tilespmem:s14+$0xFFFFFFA0];
	v20 =	vadd.f32 v20, v22;
	v63 =	vadd.f32 v30, v59  }
0x7c: {  	v19 =	vadd.f32 v19, v21;
	v30 =	vld [tilespmem:s14+$0xFFFFFFC0];
	v29 =	vadd.f32 v58, v61  }
0x7d: {  	v32 =	vld [tilespmem:s14+$0xFFFFFFE0];
	v18 =	vadd.f32 v18, v20;
	v31 =	vadd.f32 v31, v63  }
0x7e: {  	v34 =	vld [tilespmem:s14+$0x0];
	v17 =	vadd.f32 v17, v19;
	v33 =	vadd.f32 v60, v29  }
0x7f: {  	v36 =	vld [tilespmem:s14+$0x20];
	v16 =	vadd.f32 v16, v18;
	v35 =	vadd.f32 v62, v31  }
0x80: {  	v38 =	vld [tilespmem:s14+$0x40];
	v15 =	vadd.f32 v15, v17;
	v37 =	vadd.f32 v28, v33  }
0x81: {  	v40 =	vld [tilespmem:s14+$0x60];
	v14 =	vadd.f32 v14, v16;
	v39 =	vadd.f32 v30, v35  }
0x82: {  	v42 =	vld [tilespmem:s14+$0x80];
	v13 =	vadd.f32 v13, v15;
	v41 =	vadd.f32 v32, v37  }
0x83: {  	v44 =	vld [tilespmem:s14+$0xA0];
	v12 =	vadd.f32 v12, v14;
	v43 =	vadd.f32 v34, v39  }
0x84: {  	v46 =	vld [tilespmem:s14+$0xC0];
	v11 =	vadd.f32 v11, v13;
	v45 =	vadd.f32 v36, v41  }
0x85: {  	v48 =	vld [tilespmem:s14+$0xE0];
	v10 =	vadd.f32 v10, v12;
	v47 =	vadd.f32 v38, v43  }
0x86: {  	v50 =	vld [tilespmem:s14+$0x100];
	v9 =	vadd.f32 v9, v11;
	v49 =	vadd.f32 v40, v45  }
0x87: {  	v52 =	vld [tilespmem:s14+$0x120];
	v8 =	vadd.f32 v8, v10;
	v51 =	vadd.f32 v42, v47  }
0x88: {  	v54 =	vld [tilespmem:s14+$0x140];
	v7 =	vadd.f32 v7, v9;
	v53 =	vadd.f32 v44, v49  }
0x89: {  	v56 =	vld [tilespmem:s14+$0x160];
	v6 =	vadd.f32 v6, v8;
	v55 =	vadd.f32 v46, v51  }
0x8a: {  	v58 =	vld [tilespmem:s14+$0x180];
	v5 =	vadd.f32 v5, v7;
	v57 =	vadd.f32 v48, v53  }
0x8b: {  	v4 =	vadd.f32 v4, v6;
	v59 =	vadd.f32 v50, v55  }
0x8c: {  	v3 =	vadd.f32 v3, v5;
	v60 =	vadd.f32 v52, v57  }
0x8d: {  	v2 =	vadd.f32 v2, v4;
	v61 =	vadd.f32 v54, v59  }
0x8e: {  	v1 =	vadd.f32 v1, v3;
	v62 =	vadd.f32 v56, v60  }
0x8f: {  	v0 =	vadd.f32 v0, v2;
	v63 =	vadd.f32 v58, v61;
	_ =	sdelay $0x1  }
0x90: {  	v1 =	vadd.f32 v62, v1;
	v0 =	vadd.f32 v63, v0;
	_ =	sdelay $0x1  }
0x91: {  	s13 =	sadd.s32 $0x1, s13;
	v0 =	vadd.f32 v0, v1  }
0x92: {  	s31 =	sshra.s32 s15, $0x2;
	p0 =	sne.s32 s13, s7  }
.Ltmp2:
0x93: {  	[tilespmem:s31+$0x1A900] =	vst v0;
	(pc) =	sbr.rel @p0 .LBB2_1-.Ltmp2, $4  }
0x94: {  	[hbm4b:s6+s3] =	stream.linear.scatter [tilespmem:s12], [sflag:$0x2], $0x800, $0x38;
	[tilespmem:$0x1B110] =	vst v63  }
0x95: {  	_ =	swait.ge [sflag:s8], $0x800  }
0x96: {  	[sflag:s8] =	ssyncset.done $0x0  }
0x97: {  	[sflag:s8] =	ssyncadd.s32 $0xFFFFF800  }
0x98: {  	_ =	sfence.sel $0x180000  }
0x99: {  	[bflag:$0x0] =	sbarrier.arrive $0xFFFF  }
0x9a: {  	p0 =	sne.s32 s0, $0x0;
	_ =	strace $0x90000047  }
0x9b: {  	s0 =	sadd.s32 @!p0 $0x100000, s1;
	[bflag:$0x2] =	sbarrier.arrive $0xFFFF  }
0x9c: {  	[sflag:s0] =	ssyncadd.tile.s32 @!p0 $0x1;
	_ =	shalt  }
.Lfunc_end2:
_tile_overlayer_lowered:
.L_overlay_start_2:
0x9d: {  	(tag) =	ssettag $0x2  }
0x9e: {  	s0 =	rddreg [dreg:$0x0];
	s2 =	stileid.u32  }
0x9f: {  	s1 =	rddreg [dreg:$0x1];
	p0 =	sne.s32 s2, $0x0  }
0xa0: {  	s3 =	rddreg [dreg:$0x2];
	[bflag:$0x3] =	sbarrier.arrive $0xFFFF;
	s2 =	simm.s32 @!p0 $0x1C02  }
0xa1: {  	[timem:s3], [sflag:s2] =	dma.local @!p0 [hbm:s0], s1  }
0xa2: {  	s0 =	simm.s32 @!p0 $0x2  }
0xa3: {  	_ =	swait.ge @!p0 [sflag:s0], s1  }
0xa4: {  	s1 =	ssub.s32 @!p0 $0x0, s1;
	[sflag:s0] =	ssyncset.done @!p0 $0x0  }
0xa5: {  	[sflag:s0] =	ssyncadd.s32 @!p0 s1  }
0xa6: {  	[bflag:$0x3] =	sbarrier.arrive $0xFFFF  }
0xa7: {  	_ =	shalt  }

</sc_bundles>
